<compile_context>
chip_gen: v7x
topology: tpu7x:2x2x1
jax: 0.10.2.dev20260603
libtpu: 0.0.44.dev20260713+nightly
codegen_flags: <defaults>
</compile_context>

<pallas_src>
import jax
import jax.numpy as jnp
from jax import lax
from jax.experimental import pallas as pl
from jax.experimental.pallas import tpu as pltpu
from jax.experimental.pallas import tpu_sc as plsc


def _sc_body(p_hbm, wt_hbm, out_hbm, p_v, wt_v, out_v, sem):
    sid = lax.axis_index("s")

    @pl.when(sid == 0)
    def _():
        c1 = pltpu.async_copy(p_hbm, p_v, sem)
        c2 = pltpu.async_copy(wt_hbm, wt_v, sem)
        c1.wait()
        c2.wait()
        xvec = p_v[pl.ds(0, 16)]
        bvec = p_v[pl.ds(16, 16)]
        tokvec = p_v[pl.ds(32, 16)]
        acc0 = bvec
        acc1 = bvec
        for k in range(8):
            col = wt_v[k, :]
            acc0 = acc0 + tokvec[k] * col
            acc1 = acc1 + xvec[8 + k] * col
        out_v[0, :] = acc0
        out_v[1, :] = acc1
        pltpu.sync_copy(out_v, out_hbm)


def kernel(x, W, b, token):
    mesh = plsc.VectorSubcoreMesh(
        core_axis_name="c", subcore_axis_name="s", num_cores=1
    )
    packed = jnp.concatenate(
        [x.reshape(-1), b, token, jnp.zeros((8,), jnp.float32)]
    )
    f = pl.kernel(
        _sc_body,
        out_type=jax.ShapeDtypeStruct((2, 16), jnp.float32),
        mesh=mesh,
        scratch_types=[
            pltpu.VMEM((48,), jnp.float32),
            pltpu.VMEM((8, 16), jnp.float32),
            pltpu.VMEM((2, 16), jnp.float32),
            pltpu.SemaphoreType.DMA,
        ],
    )
    return f(packed, W.T)

# --- scband reference (transcript-rebuilt; emitter-appended) ---
"""Pipeline reference for scband-my-model-61933428416054 (READ-ONLY COPY).

The authoritative reference and input builder live on the scoring server;
editing this copy changes nothing except your own understanding.
"""

import jax, jax.numpy as jnp
import numpy as np


def setup_inputs(seed: int = 0) -> dict:
    key = jax.random.key(seed)
    k1, k2, k3 = jax.random.split(key, 3)
    # forward input: batch MUST be 2 (boolean mask [True, False] over dim 0),
    # flattened feature dim MUST be 8 (nn.Linear(8, 16))
    x = jax.random.normal(k1, (2, 8), dtype=jnp.float32)
    # learned parameters sized per nn.Linear(8, 16) and nn.Parameter(zeros(8))
    W = jax.random.normal(k2, (16, 8), dtype=jnp.float32) * 0.1
    b = jax.random.normal(k3, (16,), dtype=jnp.float32) * 0.1
    token = jnp.zeros((8,), dtype=jnp.float32)
    return {"x": x, "W": W, "b": b, "token": token}


def reference(x, W, b, token):
    # x = x.view(x.size(0), -1)
    xx = x.reshape(x.shape[0], -1)
    # x[[True, False]] = self.token  -> boolean-masked scatter-overwrite of rows
    mask = jnp.array([True, False])
    xx = jnp.where(mask[:, None], token[None, :], xx)
    # x = self.layer(x)
    out = xx @ W.T + b
    return out

if __name__ == "__main__":
    import jax
    _d = setup_inputs()
    print(jax.jit(kernel)(*tuple(_d.values())))

</pallas_src>

<mosaic_0001>
#map = affine_map<(d0, d1) -> (0)>
#map1 = affine_map<(d0, d1) -> (0, 0)>
module attributes {stable_mosaic.version = 14 : i64} {
  func.func @_sc_body(%arg0: i32, %arg1: i32, %arg2: memref<48xf32, #tpu.memory_space<hbm>>, %arg3: memref<8x16xf32, #tpu.memory_space<hbm>>, %arg4: memref<2x16xf32, #tpu.memory_space<hbm>>, %arg5: memref<48xf32, #tpu.memory_space<vmem>>, %arg6: memref<8x16xf32, #tpu.memory_space<vmem>>, %arg7: memref<2x16xf32, #tpu.memory_space<vmem>>, %arg8: memref<!tpu.dma_semaphore, #tpu.memory_space<semaphore_mem>>) attributes {dimension_semantics = [#tpu.dimension_semantics<core_parallel>, #tpu.dimension_semantics<subcore_parallel>], iteration_bounds = array<i64: 1, 16>, scalar_prefetch = 0 : i64, scratch_operands = 4 : i64, tpu.core_type = #tpu.core_type<sc_vector_subcore>, window_params = [{transform_indices = #map}, {transform_indices = #map1}, {transform_indices = #map1}]} {
    %eq3A = arith.constant 0 : i32
    %eq3A_0 = arith.cmpi eq, %arg1, %eq3A : i32
    %convert_element_type3A = arith.extui %eq3A_0 : i1 to i32
    %cond3A = arith.constant 0 : i32
    %cond3A_1 = arith.cmpi ne, %convert_element_type3A, %cond3A : i32
    scf.if %cond3A_1 {
      tpu.enqueue_dma source(%arg2 : memref<48xf32, #tpu.memory_space<hbm>>) target(%arg5 : memref<48xf32, #tpu.memory_space<vmem>>) target_semaphore(%arg8 : memref<!tpu.dma_semaphore, #tpu.memory_space<semaphore_mem>>)
      tpu.enqueue_dma source(%arg3 : memref<8x16xf32, #tpu.memory_space<hbm>>) target(%arg6 : memref<8x16xf32, #tpu.memory_space<vmem>>) target_semaphore(%arg8 : memref<!tpu.dma_semaphore, #tpu.memory_space<semaphore_mem>>)
      tpu.wait_dma2 semaphore(%arg8 : memref<!tpu.dma_semaphore, #tpu.memory_space<semaphore_mem>>) src(%arg2 : memref<48xf32, #tpu.memory_space<hbm>>) dst(%arg5 : memref<48xf32, #tpu.memory_space<vmem>>)
      tpu.wait_dma2 semaphore(%arg8 : memref<!tpu.dma_semaphore, #tpu.memory_space<semaphore_mem>>) src(%arg3 : memref<8x16xf32, #tpu.memory_space<hbm>>) dst(%arg6 : memref<8x16xf32, #tpu.memory_space<vmem>>)
      %get3A = arith.constant 0 : index
      %get3A_2 = tpu.vector_load %arg5[%get3A] {strides = array<i32>} : memref<48xf32, #tpu.memory_space<vmem>>, vector<16xf32>,
      %get3A_3 = vector.shape_cast %get3A_2 : vector<16xf32> to vector<16xf32>
      %get3A_4 = arith.constant 16 : index
      %get3A_5 = tpu.vector_load %arg5[%get3A_4] {strides = array<i32>} : memref<48xf32, #tpu.memory_space<vmem>>, vector<16xf32>,
      %get3A_6 = vector.shape_cast %get3A_5 : vector<16xf32> to vector<16xf32>
      %get3A_7 = arith.constant 32 : index
      %get3A_8 = tpu.vector_load %arg5[%get3A_7] {strides = array<i32>} : memref<48xf32, #tpu.memory_space<vmem>>, vector<16xf32>,
      %get3A_9 = vector.shape_cast %get3A_8 : vector<16xf32> to vector<16xf32>
      %get3A_10 = arith.constant 0 : i32
      %get3A_11 = arith.index_cast %get3A_10 : i32 to index
      %get3A_12 = arith.constant 0 : index
      %get3A_13 = tpu.vector_load %arg6[%get3A_11, %get3A_12] {strides = array<i32>} : memref<8x16xf32, #tpu.memory_space<vmem>>, vector<1x16xf32>,
      %get3A_14 = vector.shape_cast %get3A_13 : vector<1x16xf32> to vector<16xf32>
      %slice3A = vector.extract_strided_slice %get3A_9 {offsets = [0], sizes = [1], strides = [1]} : vector<16xf32> to vector<1xf32>
      %squeeze3A = vector.extract %slice3A[0] : f32 from vector<1xf32>
      %mul3A = vector.broadcast %squeeze3A : f32 to vector<16xf32>
      %mul3A_15 = arith.mulf %mul3A, %get3A_14 : vector<16xf32>
      %add3A = arith.addf %get3A_6, %mul3A_15 : vector<16xf32>
      %slice3A_16 = vector.extract_strided_slice %get3A_3 {offsets = [8], sizes = [1], strides = [1]} : vector<16xf32> to vector<1xf32>
      %squeeze3A_17 = vector.extract %slice3A_16[0] : f32 from vector<1xf32>
      %mul3A_18 = vector.broadcast %squeeze3A_17 : f32 to vector<16xf32>
      %mul3A_19 = arith.mulf %mul3A_18, %get3A_14 : vector<16xf32>
      %add3A_20 = arith.addf %get3A_6, %mul3A_19 : vector<16xf32>
      %get3A_21 = arith.constant 1 : i32
      %get3A_22 = arith.index_cast %get3A_21 : i32 to index
      %get3A_23 = arith.constant 0 : index
      %get3A_24 = tpu.vector_load %arg6[%get3A_22, %get3A_23] {strides = array<i32>} : memref<8x16xf32, #tpu.memory_space<vmem>>, vector<1x16xf32>,
      %get3A_25 = vector.shape_cast %get3A_24 : vector<1x16xf32> to vector<16xf32>
      %slice3A_26 = vector.extract_strided_slice %get3A_9 {offsets = [1], sizes = [1], strides = [1]} : vector<16xf32> to vector<1xf32>
      %squeeze3A_27 = vector.extract %slice3A_26[0] : f32 from vector<1xf32>
      %mul3A_28 = vector.broadcast %squeeze3A_27 : f32 to vector<16xf32>
      %mul3A_29 = arith.mulf %mul3A_28, %get3A_25 : vector<16xf32>
      %add3A_30 = arith.addf %add3A, %mul3A_29 : vector<16xf32>
      %slice3A_31 = vector.extract_strided_slice %get3A_3 {offsets = [9], sizes = [1], strides = [1]} : vector<16xf32> to vector<1xf32>
      %squeeze3A_32 = vector.extract %slice3A_31[0] : f32 from vector<1xf32>
      %mul3A_33 = vector.broadcast %squeeze3A_32 : f32 to vector<16xf32>
      %mul3A_34 = arith.mulf %mul3A_33, %get3A_25 : vector<16xf32>
      %add3A_35 = arith.addf %add3A_20, %mul3A_34 : vector<16xf32>
      %get3A_36 = arith.constant 2 : i32
      %get3A_37 = arith.index_cast %get3A_36 : i32 to index
      %get3A_38 = arith.constant 0 : index
      %get3A_39 = tpu.vector_load %arg6[%get3A_37, %get3A_38] {strides = array<i32>} : memref<8x16xf32, #tpu.memory_space<vmem>>, vector<1x16xf32>,
      %get3A_40 = vector.shape_cast %get3A_39 : vector<1x16xf32> to vector<16xf32>
      %slice3A_41 = vector.extract_strided_slice %get3A_9 {offsets = [2], sizes = [1], strides = [1]} : vector<16xf32> to vector<1xf32>
      %squeeze3A_42 = vector.extract %slice3A_41[0] : f32 from vector<1xf32>
      %mul3A_43 = vector.broadcast %squeeze3A_42 : f32 to vector<16xf32>
      %mul3A_44 = arith.mulf %mul3A_43, %get3A_40 : vector<16xf32>
      %add3A_45 = arith.addf %add3A_30, %mul3A_44 : vector<16xf32>
      %slice3A_46 = vector.extract_strided_slice %get3A_3 {offsets = [10], sizes = [1], strides = [1]} : vector<16xf32> to vector<1xf32>
      %squeeze3A_47 = vector.extract %slice3A_46[0] : f32 from vector<1xf32>
      %mul3A_48 = vector.broadcast %squeeze3A_47 : f32 to vector<16xf32>
      %mul3A_49 = arith.mulf %mul3A_48, %get3A_40 : vector<16xf32>
      %add3A_50 = arith.addf %add3A_35, %mul3A_49 : vector<16xf32>
      %get3A_51 = arith.constant 3 : i32
      %get3A_52 = arith.index_cast %get3A_51 : i32 to index
      %get3A_53 = arith.constant 0 : index
      %get3A_54 = tpu.vector_load %arg6[%get3A_52, %get3A_53] {strides = array<i32>} : memref<8x16xf32, #tpu.memory_space<vmem>>, vector<1x16xf32>,
      %get3A_55 = vector.shape_cast %get3A_54 : vector<1x16xf32> to vector<16xf32>
      %slice3A_56 = vector.extract_strided_slice %get3A_9 {offsets = [3], sizes = [1], strides = [1]} : vector<16xf32> to vector<1xf32>
      %squeeze3A_57 = vector.extract %slice3A_56[0] : f32 from vector<1xf32>
      %mul3A_58 = vector.broadcast %squeeze3A_57 : f32 to vector<16xf32>
      %mul3A_59 = arith.mulf %mul3A_58, %get3A_55 : vector<16xf32>
      %add3A_60 = arith.addf %add3A_45, %mul3A_59 : vector<16xf32>
      %slice3A_61 = vector.extract_strided_slice %get3A_3 {offsets = [11], sizes = [1], strides = [1]} : vector<16xf32> to vector<1xf32>
      %squeeze3A_62 = vector.extract %slice3A_61[0] : f32 from vector<1xf32>
      %mul3A_63 = vector.broadcast %squeeze3A_62 : f32 to vector<16xf32>
      %mul3A_64 = arith.mulf %mul3A_63, %get3A_55 : vector<16xf32>
      %add3A_65 = arith.addf %add3A_50, %mul3A_64 : vector<16xf32>
      %get3A_66 = arith.constant 4 : i32
      %get3A_67 = arith.index_cast %get3A_66 : i32 to index
      %get3A_68 = arith.constant 0 : index
      %get3A_69 = tpu.vector_load %arg6[%get3A_67, %get3A_68] {strides = array<i32>} : memref<8x16xf32, #tpu.memory_space<vmem>>, vector<1x16xf32>,
      %get3A_70 = vector.shape_cast %get3A_69 : vector<1x16xf32> to vector<16xf32>
      %slice3A_71 = vector.extract_strided_slice %get3A_9 {offsets = [4], sizes = [1], strides = [1]} : vector<16xf32> to vector<1xf32>
      %squeeze3A_72 = vector.extract %slice3A_71[0] : f32 from vector<1xf32>
      %mul3A_73 = vector.broadcast %squeeze3A_72 : f32 to vector<16xf32>
      %mul3A_74 = arith.mulf %mul3A_73, %get3A_70 : vector<16xf32>
      %add3A_75 = arith.addf %add3A_60, %mul3A_74 : vector<16xf32>
      %slice3A_76 = vector.extract_strided_slice %get3A_3 {offsets = [12], sizes = [1], strides = [1]} : vector<16xf32> to vector<1xf32>
      %squeeze3A_77 = vector.extract %slice3A_76[0] : f32 from vector<1xf32>
      %mul3A_78 = vector.broadcast %squeeze3A_77 : f32 to vector<16xf32>
      %mul3A_79 = arith.mulf %mul3A_78, %get3A_70 : vector<16xf32>
      %add3A_80 = arith.addf %add3A_65, %mul3A_79 : vector<16xf32>
      %get3A_81 = arith.constant 5 : i32
      %get3A_82 = arith.index_cast %get3A_81 : i32 to index
      %get3A_83 = arith.constant 0 : index
      %get3A_84 = tpu.vector_load %arg6[%get3A_82, %get3A_83] {strides = array<i32>} : memref<8x16xf32, #tpu.memory_space<vmem>>, vector<1x16xf32>,
      %get3A_85 = vector.shape_cast %get3A_84 : vector<1x16xf32> to vector<16xf32>
      %slice3A_86 = vector.extract_strided_slice %get3A_9 {offsets = [5], sizes = [1], strides = [1]} : vector<16xf32> to vector<1xf32>
      %squeeze3A_87 = vector.extract %slice3A_86[0] : f32 from vector<1xf32>
      %mul3A_88 = vector.broadcast %squeeze3A_87 : f32 to vector<16xf32>
      %mul3A_89 = arith.mulf %mul3A_88, %get3A_85 : vector<16xf32>
      %add3A_90 = arith.addf %add3A_75, %mul3A_89 : vector<16xf32>
      %slice3A_91 = vector.extract_strided_slice %get3A_3 {offsets = [13], sizes = [1], strides = [1]} : vector<16xf32> to vector<1xf32>
      %squeeze3A_92 = vector.extract %slice3A_91[0] : f32 from vector<1xf32>
      %mul3A_93 = vector.broadcast %squeeze3A_92 : f32 to vector<16xf32>
      %mul3A_94 = arith.mulf %mul3A_93, %get3A_85 : vector<16xf32>
      %add3A_95 = arith.addf %add3A_80, %mul3A_94 : vector<16xf32>
      %get3A_96 = arith.constant 6 : i32
      %get3A_97 = arith.index_cast %get3A_96 : i32 to index
      %get3A_98 = arith.constant 0 : index
      %get3A_99 = tpu.vector_load %arg6[%get3A_97, %get3A_98] {strides = array<i32>} : memref<8x16xf32, #tpu.memory_space<vmem>>, vector<1x16xf32>,
      %get3A_100 = vector.shape_cast %get3A_99 : vector<1x16xf32> to vector<16xf32>
      %slice3A_101 = vector.extract_strided_slice %get3A_9 {offsets = [6], sizes = [1], strides = [1]} : vector<16xf32> to vector<1xf32>
      %squeeze3A_102 = vector.extract %slice3A_101[0] : f32 from vector<1xf32>
      %mul3A_103 = vector.broadcast %squeeze3A_102 : f32 to vector<16xf32>
      %mul3A_104 = arith.mulf %mul3A_103, %get3A_100 : vector<16xf32>
      %add3A_105 = arith.addf %add3A_90, %mul3A_104 : vector<16xf32>
      %slice3A_106 = vector.extract_strided_slice %get3A_3 {offsets = [14], sizes = [1], strides = [1]} : vector<16xf32> to vector<1xf32>
      %squeeze3A_107 = vector.extract %slice3A_106[0] : f32 from vector<1xf32>
      %mul3A_108 = vector.broadcast %squeeze3A_107 : f32 to vector<16xf32>
      %mul3A_109 = arith.mulf %mul3A_108, %get3A_100 : vector<16xf32>
      %add3A_110 = arith.addf %add3A_95, %mul3A_109 : vector<16xf32>
      %get3A_111 = arith.constant 7 : i32
      %get3A_112 = arith.index_cast %get3A_111 : i32 to index
      %get3A_113 = arith.constant 0 : index
      %get3A_114 = tpu.vector_load %arg6[%get3A_112, %get3A_113] {strides = array<i32>} : memref<8x16xf32, #tpu.memory_space<vmem>>, vector<1x16xf32>,
      %get3A_115 = vector.shape_cast %get3A_114 : vector<1x16xf32> to vector<16xf32>
      %slice3A_116 = vector.extract_strided_slice %get3A_9 {offsets = [7], sizes = [1], strides = [1]} : vector<16xf32> to vector<1xf32>
      %squeeze3A_117 = vector.extract %slice3A_116[0] : f32 from vector<1xf32>
      %mul3A_118 = vector.broadcast %squeeze3A_117 : f32 to vector<16xf32>
      %mul3A_119 = arith.mulf %mul3A_118, %get3A_115 : vector<16xf32>
      %add3A_120 = arith.addf %add3A_105, %mul3A_119 : vector<16xf32>
      %slice3A_121 = vector.extract_strided_slice %get3A_3 {offsets = [15], sizes = [1], strides = [1]} : vector<16xf32> to vector<1xf32>
      %squeeze3A_122 = vector.extract %slice3A_121[0] : f32 from vector<1xf32>
      %mul3A_123 = vector.broadcast %squeeze3A_122 : f32 to vector<16xf32>
      %mul3A_124 = arith.mulf %mul3A_123, %get3A_115 : vector<16xf32>
      %add3A_125 = arith.addf %add3A_110, %mul3A_124 : vector<16xf32>
      %swap3A = arith.constant 0 : i32
      %swap3A_126 = arith.index_cast %swap3A : i32 to index
      %swap3A_127 = arith.constant 0 : index
      %swap3A_128 = tpu.vector_load %arg7[%swap3A_126, %swap3A_127] {strides = array<i32>} : memref<2x16xf32, #tpu.memory_space<vmem>>, vector<1x16xf32>,
      %swap3A_129 = vector.shape_cast %swap3A_128 : vector<1x16xf32> to vector<16xf32>
      %swap3A_130 = vector.shape_cast %add3A_120 : vector<16xf32> to vector<1x16xf32>
      tpu.vector_store %arg7[%swap3A_126, %swap3A_127], %swap3A_130 {strides = array<i32>} : memref<2x16xf32, #tpu.memory_space<vmem>>, vector<1x16xf32>,
      %swap3A_131 = arith.constant 1 : i32
      %swap3A_132 = arith.index_cast %swap3A_131 : i32 to index
      %swap3A_133 = arith.constant 0 : index
      %swap3A_134 = tpu.vector_load %arg7[%swap3A_132, %swap3A_133] {strides = array<i32>} : memref<2x16xf32, #tpu.memory_space<vmem>>, vector<1x16xf32>,
      %swap3A_135 = vector.shape_cast %swap3A_134 : vector<1x16xf32> to vector<16xf32>
      %swap3A_136 = vector.shape_cast %add3A_125 : vector<16xf32> to vector<1x16xf32>
      tpu.vector_store %arg7[%swap3A_132, %swap3A_133], %swap3A_136 {strides = array<i32>} : memref<2x16xf32, #tpu.memory_space<vmem>>, vector<1x16xf32>,
      "tpu.region"() ({
        %run_scoped3A = tpu.sem_alloc : memref<!tpu.dma_semaphore, #tpu.memory_space<semaphore_mem>>
        tpu.enqueue_dma source(%arg7 : memref<2x16xf32, #tpu.memory_space<vmem>>) target(%arg4 : memref<2x16xf32, #tpu.memory_space<hbm>>) target_semaphore(%run_scoped3A : memref<!tpu.dma_semaphore, #tpu.memory_space<semaphore_mem>>)
        tpu.wait_dma2 semaphore(%run_scoped3A : memref<!tpu.dma_semaphore, #tpu.memory_space<semaphore_mem>>) src(%arg7 : memref<2x16xf32, #tpu.memory_space<vmem>>) dst(%arg4 : memref<2x16xf32, #tpu.memory_space<hbm>>)
        tpu.yield
      }) : () -> ()
    } else {
    }
    return
  }
}

</mosaic_0001>

<sc_bundles>
// kernel: kernel.3.cloned.1.call-start
scs
__scs_entry_jumppad:
0x0: {  	(pc) =	sbr.rel $0x88, $3  }
0x1: {  	(tag) =	ssettag $0x0;
	lr =	simm.s32 $0x1  }
0x2: {  	[smem:$0x3F9D] =	sst lr;
	_ =	strace $0xD0000000  }
0x3: {  	_ = 	snop  }
0x4: {  	_ = 	snop  }
0x5: {  	_ = 	snop  }
0x6: {  	_ = 	snop  }
0x7: {  	_ = 	snop  }
__scs_overlays_trampoline_lowered:
0x8: {  	[smem:$0x3FAC] =	sst s0  }
0x9: {  	[smem:$0x3FAD] =	sst s1  }
0xa: {  	[smem:$0x3FAE] =	sst s2  }
0xb: {  	[smem:$0x3FAF] =	sst s3  }
0xc: {  	[smem:$0x3FB0] =	sst s4  }
0xd: {  	[smem:$0x3FB1] =	sst s5  }
0xe: {  	[smem:$0x3FB2] =	sst s6  }
0xf: {  	[smem:$0x3FB3] =	sst s7  }
0x10: {  	[smem:$0x3FB4] =	sst s8  }
0x11: {  	[smem:$0x3FB5] =	sst s9;
	s0 =	simm.s32 @!p0 $0x0  }
0x12: {  	s1 =	sld [smem:$0x3F9B];
	s0 =	simm.s32 @p0 $0x1  }
0x13: {  	[smem:$0x3FB6] =	sst s0;
	s0 =	simm.s32 @!p1 $0x0  }
0x14: {  	s2 =	sld [smem:$0x3F9A];
	s0 =	simm.s32 @p1 $0x1  }
0x15: {  	[smem:$0x3FB7] =	sst s0;
	s0 =	simm.s32 @!p2 $0x0  }
0x16: {  	s3 =	sld [smem:$0x3FDB];
	s0 =	simm.s32 @p2 $0x1  }
0x17: {  	s4 =	simm.s32 $0x1BF5;
	[smem:$0x3FB9] =	sst s0  }
0x18: {  	s0 =	sld [smem:$0x3F9C];
	_ =	swait.ge [sflag:s4], $0x0  }
0x19: {  	s7 =	sld [smem:$0x3F9D]  }
0x1a: {  	s8 =	sadd.s32 $0xFFFFE003, lr  }
0x1b: {  	s9 =	sadd.s32 $0xFFFFFEF7, lr;
	s5 =	simm.s32 $0xFFFFFFFF;
	p2 =	slt.u32 s8, $0xFFFFF086  }
0x1c: {  	p1 =	slt.u32 s9, $0xF7A;
	s5 =	simm.s32 @!p2 $0x0  }
0x1d: {  	s5 =	simm.s32 @p1 $0x1;
	p0 =	seq.s32 s7, s2  }
0x1e: {  	s7 =	smul.u32 @!p0 $0xF7A, s2;
	p2 =	seq.s32 @!p0 s5, $0x0  }
0x1f: {  	s9 =	smul.u32 $0xF7A, s1;
	s8 =	simm.s32 @!p0 $0x1BF5;
	p2 =	por !p2, p0  }
0x20: {  	[sflag:s8] =	ssyncset.s32 @!p0 $0xFFFFF086;
	s6 =	sadd.s32 @!p0 s3, s7;
	s7 =	simm.s32 @!p0 $0x108  }
0x21: {  	s3 =	sadd.s32 s3, s9;
	s6 =	sadd.s32 @!p0 $0x88, s6;
	s7 =	simm.s32 @p2 $0x1082  }
0x22: {  	[simem:s7], [sflag:s8] =	dma.local @!p0 [hbm:s6], $0xF7A  }
0x23: {  	s9 =	sor.u32 $0xD0000000, s2;
	s6 =	simm.s32 $0x108;
	_ =	swait.ge @!p0 [sflag:s8], $0x0  }
0x24: {  	s3 =	sadd.s32 $0x88, s3;
	s6 =	simm.s32 @!p1 $0x1082;
	[sflag:s4] =	ssyncset.s32 $0xFFFFF086  }
0x25: {  	[simem:s6], [sflag:s4] =	dma.local [hbm:s3], $0xF7A  }
0x26: {  	[smem:$0x3F9D] =	sst s1;
	(tag) =	ssettag s2;
	_ =	strace s9  }
0x27: {  	s1 =	sld [smem:$0x3FAD]  }
0x28: {  	s2 =	sld [smem:$0x3FAE]  }
0x29: {  	s4 =	sld [smem:$0x3FB0]  }
0x2a: {  	p0 =	seq.s32 s5, $0x0;
	s5 =	sld [smem:$0x3FB1]  }
0x2b: {  	s6 =	sld [smem:$0x3FB2]  }
0x2c: {  	s7 =	sld [smem:$0x3FB3]  }
0x2d: {  	s3 =	simm.s32 $0x108;
	s8 =	sld [smem:$0x3FB4]  }
0x2e: {  	s3 =	simm.s32 @!p0 $0x1082;
	s9 =	sld [smem:$0x3FB5]  }
0x2f: {  	lr =	sadd.s32 s0, s3;
	s0 =	sld [smem:$0x3FAC]  }
0x30: {  	s3 =	sld [smem:$0x3FAF]  }
0x31: {  	[smem:$0x3FB8] =	sst s10  }
0x32: {  	s10 =	sld [smem:$0x3FB6];
	_ =	sdelay $0x3  }
0x33: {  	p0 =	seq.s32 s10, $0x1;
	s10 =	sld [smem:$0x3FB8];
	_ =	sdelay $0x3  }
0x34: {  	[smem:$0x3FB8] =	sst s10  }
0x35: {  	s10 =	sld [smem:$0x3FB7];
	_ =	sdelay $0x3  }
0x36: {  	p1 =	seq.s32 s10, $0x1;
	s10 =	sld [smem:$0x3FB8];
	_ =	sdelay $0x3  }
0x37: {  	[smem:$0x3FB8] =	sst s10  }
0x38: {  	s10 =	sld [smem:$0x3FB9]  }
0x39: {  	_ = 	snop;
	(pc) =	sbr.ind lr, $3  }
0x3a: {  	_ = 	snop  }
0x3b: {  	_ = 	snop  }
0x3c: {  	p2 =	seq.s32 s10, $0x1;
	s10 =	sld [smem:$0x3FB8]  }
0x3d: {  	_ =	shalt  }
0x3e: {  	_ =	shalt  }
0x3f: {  	_ =	shalt  }
0x40: {  	_ =	shalt  }
0x41: {  	_ =	shalt  }
0x42: {  	_ =	shalt  }
0x43: {  	_ =	shalt  }
0x44: {  	_ =	shalt  }
0x45: {  	_ =	shalt  }
0x46: {  	_ =	shalt  }
0x47: {  	_ =	shalt  }
0x48: {  	_ =	shalt  }
0x49: {  	_ =	shalt  }
0x4a: {  	_ =	shalt  }
0x4b: {  	_ =	shalt  }
0x4c: {  	_ =	shalt  }
0x4d: {  	_ =	shalt  }
0x4e: {  	_ =	shalt  }
0x4f: {  	_ =	shalt  }
0x50: {  	_ =	shalt  }
0x51: {  	_ =	shalt  }
0x52: {  	_ =	shalt  }
0x53: {  	_ =	shalt  }
0x54: {  	_ =	shalt  }
0x55: {  	_ =	shalt  }
0x56: {  	_ =	shalt  }
0x57: {  	_ =	shalt  }
0x58: {  	_ =	shalt  }
0x59: {  	_ =	shalt  }
0x5a: {  	_ =	shalt  }
0x5b: {  	_ =	shalt  }
0x5c: {  	_ =	shalt  }
0x5d: {  	_ =	shalt  }
0x5e: {  	_ =	shalt  }
0x5f: {  	_ =	shalt  }
0x60: {  	_ =	shalt  }
0x61: {  	_ =	shalt  }
0x62: {  	_ =	shalt  }
0x63: {  	_ =	shalt  }
0x64: {  	_ =	shalt  }
0x65: {  	_ =	shalt  }
0x66: {  	_ =	shalt  }
0x67: {  	_ =	shalt  }
0x68: {  	_ =	shalt  }
0x69: {  	_ =	shalt  }
0x6a: {  	_ =	shalt  }
0x6b: {  	_ =	shalt  }
0x6c: {  	_ =	shalt  }
0x6d: {  	_ =	shalt  }
0x6e: {  	_ =	shalt  }
0x6f: {  	_ =	shalt  }
0x70: {  	_ =	shalt  }
0x71: {  	_ =	shalt  }
0x72: {  	_ =	shalt  }
0x73: {  	_ =	shalt  }
0x74: {  	_ =	shalt  }
0x75: {  	_ =	shalt  }
0x76: {  	_ =	shalt  }
0x77: {  	_ =	shalt  }
0x78: {  	_ =	shalt  }
0x79: {  	_ =	shalt  }
0x7a: {  	_ =	shalt  }
0x7b: {  	_ =	shalt  }
0x7c: {  	_ =	shalt  }
0x7d: {  	_ =	shalt  }
0x7e: {  	_ =	shalt  }
0x7f: {  	_ =	shalt  }
0x80: {  	_ =	shalt  }
0x81: {  	_ =	shalt  }
0x82: {  	_ =	shalt  }
0x83: {  	_ =	shalt  }
0x84: {  	_ =	shalt  }
0x85: {  	_ =	shalt  }
0x86: {  	_ =	shalt  }
0x87: {  	_ =	shalt  }
.Lfunc_end0:
.L_simem_size_0:
called_computation_lowered:
.L_overlay_start_0:
0x88: {  	s0 =	sld [smem:$0x3FD9]  }
0x89: {  	s1 =	sld [smem:$0x3FFE];
	_ =	sdelay $0x3  }
0x8a: {  	s0 =	sadd.s32 s1, s0  }
0x8b: {  	[smem:$0x3FC4] =	sst s0  }
0x8c: {  	_ = 	snop  }
0x8d: {  	s0 =	sld [smem:$0x3FC8]  }
0x8e: {  	s16 =	sld [smem:$0x3FD0];
	(tm) =	ssettm $0x1  }
0x8f: {  	s2 =	sld [smem:$0x3FFB];
	_ =	sdelay $0x3  }
0x90: {  	_ =	strace s2  }
0x91: {  	s2 =	sld [smem:$0x3FFC];
	_ =	sdelay $0x3  }
0x92: {  	_ =	strace s2  }
0x93: {  	s2 =	sld [smem:$0x3FFD];
	_ =	sdelay $0x3  }
0x94: {  	_ =	strace s2  }
0x95: {  	_ =	strace $0x8FFFFFFF  }
0x96: {  	s17 =	sld [smem:$0x3FDB];
	_ =	sdelay $0x1  }
0x97: {  	s3 =	simm.s32 $_scs_section_size  }
0x98: {  	s4 =	simm.s32 $_size__tile_overlayer_lowered;
	s5 =	simm.s32 $_tile_overlayer_lowered  }
0x99: {  	s20 =	simm.s32 $0x1BFF;
	s19 =	sshll.u32 s5, $0x1;
	s2 =	sadd.s32 s3, s17  }
0x9a: {  	s6 =	simm.s32 $0x0;
	s18 =	sshll.u32 s4, $0x1;
	s4 =	sadd.s32 s19, s2  }
0x9b: {  	[timem:s6], [sflag:s20] =	dma.local [hbm:s4], s18  }
0x9c: {  	_ =	swait.ge [sflag:s20], s18  }
0x9d: {  	s3 =	ssub.s32 $0x0, s18;
	[sflag:s20] =	ssyncset.done $0x0  }
0x9e: {  	[sflag:s20] =	ssyncadd.s32 s3;
	_ =	sdelay $0x1  }
0x9f: {  	s21 =	simm.s32 $0x1B8B  }
0xa0: {  	_ =	swait.ge [sflag:s21], $0x1  }
0xa1: {  	[sflag:s21] =	ssyncset.done $0x0  }
0xa2: {  	s23 =	simm.s32 $0x1B8E;
	s22 =	sld [smem:$0x3FFE];
	[sflag:s21] =	ssyncadd.s32 $0xFFFFFFFF  }
0xa3: {  	s24 =	simm.s32 $execute0_lowered;
	[smem:$0x3FD2] =	sst s23  }
0xa4: {  	s4 =	sshll.u32 s24, $0x1;
	_ =	strace $0x80000046;
	[dreg:$0x1] =	wrdreg $0xFFFFFFFF  }
0xa5: {  	s25 =	simm.s32 $_size_execute0_lowered;
	s2 =	sadd.s32 s2, s4;
	[dreg:$0x0] =	wrdreg $0x0  }
0xa6: {  	s4 =	sshll.u32 s25, $0x1;
	[dreg:$0x2] =	wrdreg s2  }
0xa7: {  	[dreg:$0x3] =	wrdreg s4  }
0xa8: {  	[dreg:$0x4] =	wrdreg $0xC0  }
0xa9: {  	_ =	task [dreg:s6], $0x5FFFF  }
0xaa: {  	[dreg:$0x1] =	wrdreg $0xFFFFFFFF  }
0xab: {  	[dreg:$0x0] =	wrdreg $0x60  }
0xac: {  	[dreg:$0x2] =	wrdreg s22  }
0xad: {  	[dreg:$0x3] =	wrdreg s0  }
0xae: {  	[dreg:$0x4] =	wrdreg s16  }
0xaf: {  	[dreg:$0x5] =	wrdreg $0x9  }
0xb0: {  	_ =	task.clear_ibuf [dreg:s6], $0x6FFFF;
	_ =	strace $0x90000046  }
0xb1: {  	s26 =	simm.s32 $0x9;
	_ =	strace $0x80000048  }
0xb2: {  	_ =	swait.ge [sflag:s26], $0x1  }
0xb3: {  	[sflag:s26] =	ssyncadd.s32 $0xFFFFFFFF  }
0xb4: {  	_ =	strace $0x90000048  }
0xb5: {  	_ =	sfence  }
0xb6: {  	s28 =	sld [smem:$0x0];
	_ =	sdelay $0x1  }
0xb7: {  	s29 =	srdreg.scid  }
0xb8: {  	s30 =	sshll.u32 s29, $0xD;
	s31 =	sshrl.u32 s29, $0x2  }
0xb9: {  	s1 =	sand.u32 $0x1, s29;
	s2 =	sand.u32 $0x4000, s30;
	s0 =	sadd.s32 s31, s28  }
0xba: {  	s1 =	sor.u32 s2, s1;
	s0 =	sshll.u32 s0, $0x11  }
0xbb: {  	s0 =	sor.u32 s0, s1  }
0xbc: {  	s0 =	sadd.s32 $0x8F2B, s0  }
0xbd: {  	[sflag:s0] =	ssyncadd.remote.s32 $0x1  }
0xbe: {  	_ =	sfence.sel $0xFFFF  }
0xbf: {  	[dreg:$0x0] =	wrdreg $0xFFFFFFFF;
	(pc) =	sbr.abs _section_cstart, $3  }
0xc0: {  	[dreg:$0x1] =	wrdreg $0xFFFFFFFF  }
0xc1: {  	_ =	task.clear_ibuf [dreg:s6], $0x2FFFF;
	_ =	strace $0x9FFFFFFF  }
0xc2: {  	(tm) =	ssettm $0x7FFFFFFF  }
0xc3: {  	_ =	shalt  }
tec
execute0_lowered:
.L_overlay_start_1:
0x0: {  	(tag) =	ssettag $0x1  }
0x1: {  	s2 =	rddreg [dreg:$0x0]  }
0x2: {  	s3 =	rddreg [dreg:$0x1]  }
0x3: {  	s1 =	rddreg [dreg:$0x2];
	s4 =	stileid.u32  }
0x4: {  	s0 =	rddreg [dreg:$0x3];
	_ =	strace $0x80000047;
	p0 =	sne.s32 s4, $0x0  }
0x5: {  	_ =	sfence.sel @p0 $0x180000  }
0x6: {  	[bflag:$0x0] =	sbarrier.arrive @p0 $0xFFFF  }
0x7: {  	_ =	strace @p0 $0x90000047  }
0x8: {  	[bflag:$0x2] =	sbarrier.arrive @p0 $0xFFFF  }
0x9: {  	_ =	shalt @p0  }
.LBB2_1:
0xa: {  	s4 =	sadd.s32 $0xA00, s2;
	s26 =	simm.s32 $0x0  }
0xb: {  	[tilespmem:s26], [sflag:$0x1] =	stream.linear.gather [hbm4b:s4+s26], $0x80, $0x38;
	[tilespmem:$0x580] =	vst v63  }
0xc: {  	s28 =	simm.s32 $0x80;
	s29 =	simm.s32 $0x1  }
0xd: {  	[tilespmem:s28], [sflag:$0x1] =	stream.linear.gather [hbm4b:s3+s26], $0x400, $0x38;
	[tilespmem:$0x580] =	vst v63  }
0xe: {  	_ =	swait.ge [sflag:s29], $0x80  }
0xf: {  	[sflag:s29] =	ssyncset.done $0x0  }
0x10: {  	[sflag:s29] =	ssyncadd.s32 $0xFFFFFF80  }
0x11: {  	_ =	swait.ge [sflag:s29], $0x400  }
0x12: {  	[sflag:s29] =	ssyncset.done $0x0  }
0x13: {  	[sflag:s29] =	ssyncadd.s32 $0xFFFFFC00  }
0x14: {  	v0 =	vld [tilespmem:$0x20]  }
0x15: {  	v1 =	vld [tilespmem:$0x0]  }
0x16: {  	v2 =	vld [tilespmem:$0x80]  }
0x17: {  	v3 =	vld [tilespmem:$0x10]  }
0x18: {  	v4 =	vld [tilespmem:$0x100]  }
0x19: {  	v5 =	vbroadcast v0, $0x0  }
0x1a: {  	v7 =	vld [tilespmem:$0x180];
	v6 =	vbroadcast v1, $0x8  }
0x1b: {  	v8 =	vbroadcast v0, $0x1;
	v5 =	vmul.f32 v2, v5  }
0x1c: {  	v9 =	vld [tilespmem:$0x200];
	v38 =	vbroadcast v1, $0x9;
	v2 =	vmul.f32 v2, v6  }
0x1d: {  	v10 =	vbroadcast v0, $0x2;
	v8 =	vmul.f32 v4, v8;
	v5 =	vadd.f32 v5, v3  }
0x1e: {  	v41 =	vld [tilespmem:$0x280];
	v40 =	vbroadcast v1, $0xA;
	v39 =	vmul.f32 v4, v38;
	v2 =	vadd.f32 v2, v3  }
0x1f: {  	v43 =	vbroadcast v0, $0x3;
	v42 =	vmul.f32 v7, v10;
	v5 =	vadd.f32 v8, v5  }
0x20: {  	v46 =	vld [tilespmem:$0x300];
	v45 =	vbroadcast v1, $0xB;
	v44 =	vmul.f32 v7, v40;
	v2 =	vadd.f32 v39, v2  }
0x21: {  	v48 =	vbroadcast v0, $0x4;
	v47 =	vmul.f32 v9, v43;
	v5 =	vadd.f32 v42, v5  }
0x22: {  	v51 =	vld [tilespmem:$0x380];
	v50 =	vbroadcast v1, $0xC;
	v49 =	vmul.f32 v9, v45;
	v2 =	vadd.f32 v44, v2  }
0x23: {  	v53 =	vbroadcast v0, $0x5;
	v52 =	vmul.f32 v41, v48;
	v5 =	vadd.f32 v47, v5  }
0x24: {  	v56 =	vld [tilespmem:$0x400];
	v55 =	vbroadcast v1, $0xD;
	v54 =	vmul.f32 v41, v50;
	v2 =	vadd.f32 v49, v2  }
0x25: {  	v58 =	vbroadcast v0, $0x6;
	v57 =	vmul.f32 v46, v53;
	v5 =	vadd.f32 v52, v5  }
0x26: {  	v60 =	vbroadcast v1, $0xE;
	v59 =	vmul.f32 v46, v55;
	v2 =	vadd.f32 v54, v2  }
0x27: {  	v0 =	vbroadcast v0, $0x7;
	v61 =	vmul.f32 v51, v58;
	v5 =	vadd.f32 v57, v5  }
0x28: {  	v1 =	vbroadcast v1, $0xF;
	v62 =	vmul.f32 v51, v60;
	v2 =	vadd.f32 v59, v2  }
0x29: {  	v0 =	vmul.f32 v56, v0;
	v63 =	vadd.f32 v61, v5  }
0x2a: {  	v1 =	vmul.f32 v56, v1;
	v2 =	vadd.f32 v62, v2  }
0x2b: {  	v0 =	vadd.f32 v0, v63  }
0x2c: {  	v1 =	vadd.f32 v1, v2  }
0x2d: {  	[tilespmem:$0x480] =	vst v0  }
0x2e: {  	s30 =	simm.s32 $0x480;
	s31 =	simm.s32 $0x2;
	[tilespmem:$0x500] =	vst v1  }
0x2f: {  	[hbm4b:s1+s26] =	stream.linear.scatter [tilespmem:s30], [sflag:$0x2], $0x100, $0x38;
	[tilespmem:$0x580] =	vst v63  }
0x30: {  	_ =	swait.ge [sflag:s31], $0x100  }
0x31: {  	[sflag:s31] =	ssyncset.done $0x0  }
0x32: {  	[sflag:s31] =	ssyncadd.s32 $0xFFFFFF00  }
0x33: {  	_ =	sfence.sel $0x180000  }
0x34: {  	[bflag:$0x0] =	sbarrier.arrive $0xFFFF  }
0x35: {  	_ =	strace $0x90000047  }
0x36: {  	s0 =	sadd.s32 $0x100000, s0;
	[bflag:$0x2] =	sbarrier.arrive $0xFFFF  }
0x37: {  	[sflag:s0] =	ssyncadd.tile.s32 $0x1;
	_ =	shalt  }
.Lfunc_end2:
_tile_overlayer_lowered:
.L_overlay_start_2:
0x38: {  	(tag) =	ssettag $0x2  }
0x39: {  	s0 =	rddreg [dreg:$0x0];
	s2 =	stileid.u32  }
0x3a: {  	s1 =	rddreg [dreg:$0x1];
	p0 =	sne.s32 s2, $0x0  }
0x3b: {  	s3 =	rddreg [dreg:$0x2];
	[bflag:$0x3] =	sbarrier.arrive $0xFFFF;
	s2 =	simm.s32 @!p0 $0x1C02  }
0x3c: {  	[timem:s3], [sflag:s2] =	dma.local @!p0 [hbm:s0], s1  }
0x3d: {  	s0 =	simm.s32 @!p0 $0x2  }
0x3e: {  	_ =	swait.ge @!p0 [sflag:s0], s1  }
0x3f: {  	s1 =	ssub.s32 @!p0 $0x0, s1;
	[sflag:s0] =	ssyncset.done @!p0 $0x0  }
0x40: {  	[sflag:s0] =	ssyncadd.s32 @!p0 s1  }
0x41: {  	[bflag:$0x3] =	sbarrier.arrive $0xFFFF  }
0x42: {  	_ =	shalt  }

</sc_bundles>
